<compile_context>
chip_gen: v7x
topology: tpu7x:2x2x1
jax: 0.10.2.dev20260603
libtpu: 0.0.44.dev20260713+nightly
codegen_flags: <defaults>
</compile_context>

<pallas_src>
import numpy as np
import jax
import jax.numpy as jnp
from jax.experimental import pallas as pl
from jax.experimental.pallas import tpu as pltpu

_NK1 = 0x03D7B32D
_NK2 = 0xADD083F4

_ROT = ((13, 15, 26, 6), (17, 29, 16, 24))


def _threefry_bits(idx):
    k1 = jnp.uint32(_NK1)
    k2 = jnp.uint32(_NK2)
    ks2 = jnp.uint32(_NK1 ^ _NK2 ^ 0x1BD11BDA)
    ks = (k1, k2, ks2)
    x0 = jnp.full(idx.shape, k1, dtype=jnp.uint32)
    x1 = idx + k2
    for i in range(5):
        for r in _ROT[i % 2]:
            x0 = x0 + x1
            x1 = (x1 << jnp.uint32(r)) | (x1 >> jnp.uint32(32 - r))
            x1 = x1 ^ x0
        x0 = x0 + ks[(i + 1) % 3]
        x1 = x1 + ks[(i + 2) % 3] + jnp.uint32(i + 1)
    return x0 ^ x1


def _noise_term(idx):
    bits = _threefry_bits(idx)
    fb = (bits >> jnp.uint32(9)) | jnp.uint32(0x3F800000)
    f = jax.lax.bitcast_convert_type(fb, jnp.float32) - jnp.float32(1.0)
    lo = jnp.float32(np.nextafter(np.float32(-1.0), np.float32(0.0)))
    hi = jnp.float32(1.0)
    u = jnp.maximum(lo, f * (hi - lo) + lo)
    w = -jnp.log(jnp.float32(1.0) - u * u)
    t = jnp.sqrt(w) - jnp.float32(3.0)
    p = jnp.float32(-0.000200214257)
    for c in (0.000100950558, 0.00134934322, -0.00367342844, 0.00573950773,
              -0.0076224613, 0.00943887047, 1.00167406, 2.83297682):
        p = jnp.float32(c) + p * t
    noise = jnp.float32(np.sqrt(2.0)) * (p * u)
    term = jnp.maximum(noise - jnp.float32(3.0), jnp.float32(0.0))
    return jnp.where(w >= jnp.float32(5.0), term, jnp.float32(0.0))


def _p1_reduce(a_ref, s_ref):
    part = jnp.sum(jnp.abs(a_ref[...]), axis=0, keepdims=True)

    @pl.when(pl.program_id(0) == 0)
    def _():
        s_ref[...] = part

    @pl.when(pl.program_id(0) != 0)
    def _():
        s_ref[...] = s_ref[...] + part


def _p2_sample(nheads, batch, reps):
    def body(s_ref, gum_ref, hmod_ref, mask_ref, ac_ref):
        x = s_ref[...]
        sh = nheads
        while sh < x.shape[-1]:
            x = x + jnp.roll(x, -sh, axis=1)
            sh *= 2
        activ = jnp.float32(0.03) * x
        ac_ref[...] = jnp.exp(jnp.float32(-5.0) * activ)
        ac = ac_ref[...]
        tot = jnp.sum(ac) / jnp.float32(reps)
        lane = jax.lax.broadcasted_iota(jnp.int32, x.shape, 1)
        base = jnp.log(ac)
        last = jnp.log((tot * jnp.float32(99.0) * jnp.float32(batch))
                       * jnp.ones_like(base))
        scores = jnp.where(lane == nheads, last, base)
        scores = jnp.where(lane <= nheads, scores, -jnp.inf)
        scores = scores + gum_ref[...]
        m = jnp.max(scores)
        r = jnp.min(jnp.where(scores == m, lane, jnp.int32(2**30)))
        mask_ref[...] = jnp.where(hmod_ref[...] == r, jnp.float32(3.0),
                                  jnp.float32(0.0))
    return body


def _p3_apply(block_rows, lanes, nheads):
    reps = lanes // nheads

    def body(a_ref, mask_ref, hmod_ref, o_ref):
        i = pl.program_id(0)
        mrow = mask_ref[...]
        r = jnp.min(jnp.where(mrow > 0, hmod_ref[...], jnp.int32(nheads - 1)))
        row = jax.lax.broadcasted_iota(jnp.int32, (block_rows, reps), 0)
        l = jax.lax.broadcasted_iota(jnp.int32, (block_rows, reps), 1)
        flat = (i * block_rows + row) * lanes + l * nheads + r
        term = _noise_term(flat.astype(jnp.uint32))
        sl = jax.lax.broadcasted_iota(jnp.int32, (reps, lanes), 0)
        sc = jax.lax.broadcasted_iota(jnp.int32, (reps, lanes), 1)
        sel = (sc == sl * nheads + r).astype(jnp.float32)
        contrib = jax.lax.dot_general(
            term, sel, (((1,), (0,)), ((), ())),
            preferred_element_type=jnp.float32)
        o_ref[...] = a_ref[...] + contrib * mrow
    return body


def kernel(a):
    batch, ntok, ntok2, nheads = a.shape
    total = batch * ntok * ntok2 * nheads
    lanes = nheads * 128
    rows = total // lanes
    reps = lanes // nheads
    a2 = a.reshape(rows, lanes)

    br1 = 1024
    s_cols = pl.pallas_call(
        _p1_reduce,
        grid=(rows // br1,),
        in_specs=[pl.BlockSpec((br1, lanes), lambda i: (i, 0))],
        out_specs=pl.BlockSpec((1, lanes), lambda i: (0, 0)),
        out_shape=jax.ShapeDtypeStruct((1, lanes), jnp.float32),
    )(a2)

    gum = jnp.zeros((1, lanes), jnp.float32)
    gum = gum.at[0, : nheads + 1].set(
        jax.random.gumbel(jax.random.key(42), (nheads + 1,), jnp.float32))
    hmod = jax.lax.broadcasted_iota(jnp.int32, (1, lanes), 1) % nheads

    mask = pl.pallas_call(
        _p2_sample(nheads, batch, reps),
        grid=(1,),
        in_specs=[pl.BlockSpec((1, lanes), lambda i: (0, 0))] * 3,
        out_specs=pl.BlockSpec((1, lanes), lambda i: (0, 0)),
        out_shape=jax.ShapeDtypeStruct((1, lanes), jnp.float32),
        scratch_shapes=[pltpu.VMEM((1, lanes), jnp.float32)],
    )(s_cols, gum, hmod)

    br3 = 256
    out2 = pl.pallas_call(
        _p3_apply(br3, lanes, nheads),
        grid=(rows // br3,),
        in_specs=[pl.BlockSpec((br3, lanes), lambda i: (i, 0)),
                  pl.BlockSpec((1, lanes), lambda i: (0, 0)),
                  pl.BlockSpec((1, lanes), lambda i: (0, 0))],
        out_specs=pl.BlockSpec((br3, lanes), lambda i: (i, 0)),
        out_shape=jax.ShapeDtypeStruct((rows, lanes), jnp.float32),
    )(a2, mask, hmod)

    return out2.reshape(a.shape)

# --- scband reference (transcript-rebuilt; emitter-appended) ---
"""Pipeline reference for scband-straight-through-attention-49280454754674 (READ-ONLY COPY).

The authoritative reference and input builder live on the scoring server;
editing this copy changes nothing except your own understanding.
"""

import jax, jax.numpy as jnp
import numpy as np


def setup_inputs(seed: int = 0) -> dict:
    key = jax.random.key(seed)
    a = jax.random.normal(key, (1, 2048, 2048, 12), dtype=jnp.float32)
    return {"a": a}


def reference(a):
    batch, ntok, _, nheads = a.shape
    # torch: self.activ.shape != a.shape[-1] compares Size to int -> always True,
    # so activ is reset to zeros every call, then activ = 0.97*0 + 0.03*s
    s = jnp.sum(jnp.abs(a), axis=(0, 1, 2))
    activ = 0.97 * jnp.zeros((nheads,), dtype=a.dtype) + 0.03 * s
    # STAFunction.forward
    ac = jnp.exp(-5.0 * activ)
    tot = jnp.sum(ac)
    ac = jnp.concatenate([ac, jnp.reshape(tot * 99.0 * float(batch), (1,))])
    ac_rep = jnp.tile(ac[None, :], (batch, 1))
    key = jax.random.key(42)
    # torch.multinomial(ac, 1) -> categorical sample per row
    r = jax.random.categorical(key, jnp.log(ac_rep), axis=-1)  # [batch]
    g = jnp.zeros((batch, nheads + 1), dtype=a.dtype)
    # torch: g[:, r] = 3.0 with r of shape [batch,1] sets those columns for ALL rows
    g = g.at[:, r].set(3.0)
    g = g[:, :-1]
    rr = jnp.broadcast_to(g[:, None, None, :], (batch, ntok, ntok, nheads))
    noise = jax.random.normal(jax.random.fold_in(key, 1), a.shape, dtype=a.dtype)
    y = jax.nn.relu(noise - 3.0) * rr
    return a + y

if __name__ == "__main__":
    import jax
    _d = setup_inputs()
    print(jax.jit(kernel)(*tuple(_d.values())))

</pallas_src>

<mosaic_0001>
module attributes {stable_mosaic.version = 14 : i64} {
  func.func @_p1_reduce(%arg0: i32, %arg1: memref<1024x1536xf32, #tpu.memory_space<vmem>>, %arg2: memref<1x1536xf32, #tpu.memory_space<vmem>>) attributes {dimension_semantics = [#tpu.dimension_semantics<arbitrary>], iteration_bounds = array<i64: 32>, scalar_prefetch = 0 : i64, scratch_operands = 0 : i64, tpu.core_type = #tpu.core_type<tc>, window_params = [{transform_indices = @transform_0, window_bounds = array<i64: 1024, 1536>}, {pipeline_mode = #tpu.pipeline_mode<synchronous>, transform_indices = @transform_1, window_bounds = array<i64: 1, 1536>}]} {
    %get3A = arith.constant 0 : index
    %get3A_0 = arith.constant 0 : index
    %get3A_1 = vector.load %arg1[%get3A, %get3A_0] : memref<1024x1536xf32, #tpu.memory_space<vmem>>, vector<1024x1536xf32>
    %abs3A = math.absf %get3A_1 : vector<1024x1536xf32>
    %reduce_sum3A = arith.constant dense<0.000000e+00> : vector<1536xf32>
    %reduce_sum3A_2 = vector.multi_reduction <add>, %abs3A, %reduce_sum3A [0] : vector<1024x1536xf32> to vector<1536xf32>
    %broadcast_in_dim3A = vector.shape_cast %reduce_sum3A_2 : vector<1536xf32> to vector<1x1536xf32>
    %eq3A = arith.constant 0 : i32
    %eq3A_3 = arith.cmpi eq, %arg0, %eq3A : i32
    %convert_element_type3A = arith.extui %eq3A_3 : i1 to i32
    %cond3A = arith.constant 0 : i32
    %cond3A_4 = arith.cmpi ne, %convert_element_type3A, %cond3A : i32
    scf.if %cond3A_4 {
      %swap3A = arith.constant 0 : index
      %swap3A_9 = arith.constant 0 : index
      %swap3A_10 = vector.load %arg2[%swap3A, %swap3A_9] : memref<1x1536xf32, #tpu.memory_space<vmem>>, vector<1x1536xf32>
      tpu.vector_store %arg2[%swap3A, %swap3A_9], %broadcast_in_dim3A {strides = array<i32>} : memref<1x1536xf32, #tpu.memory_space<vmem>>, vector<1x1536xf32>,
    } else {
    }
    %ne3A = arith.constant 0 : i32
    %ne3A_5 = arith.cmpi ne, %arg0, %ne3A : i32
    %convert_element_type3A_6 = arith.extui %ne3A_5 : i1 to i32
    %cond3A_7 = arith.constant 0 : i32
    %cond3A_8 = arith.cmpi ne, %convert_element_type3A_6, %cond3A_7 : i32
    scf.if %cond3A_8 {
      %get3A_9 = arith.constant 0 : index
      %get3A_10 = arith.constant 0 : index
      %get3A_11 = vector.load %arg2[%get3A_9, %get3A_10] : memref<1x1536xf32, #tpu.memory_space<vmem>>, vector<1x1536xf32>
      %add3A = arith.addf %get3A_11, %broadcast_in_dim3A : vector<1x1536xf32>
      %swap3A = arith.constant 0 : index
      %swap3A_12 = arith.constant 0 : index
      %swap3A_13 = vector.load %arg2[%swap3A, %swap3A_12] : memref<1x1536xf32, #tpu.memory_space<vmem>>, vector<1x1536xf32>
      tpu.vector_store %arg2[%swap3A, %swap3A_12], %add3A {strides = array<i32>} : memref<1x1536xf32, #tpu.memory_space<vmem>>, vector<1x1536xf32>,
    } else {
    }
    return
  }
  func.func @transform_0(%arg0: i32) -> (i32, i32) {
    %c0_i32 = arith.constant 0 : i32
    %c0_i32_0 = arith.constant 0 : i32
    return %arg0, %c0_i32 : i32, i32
  }
  func.func @transform_1(%arg0: i32) -> (i32, i32) {
    %c0_i32 = arith.constant 0 : i32
    %c0_i32_0 = arith.constant 0 : i32
    %c0_i32_1 = arith.constant 0 : i32
    return %c0_i32, %c0_i32_0 : i32, i32
  }
}

module attributes {stable_mosaic.version = 14 : i64} {
  func.func @body(%arg0: i32, %arg1: memref<1x1536xf32, #tpu.memory_space<vmem>>, %arg2: memref<1x1536xf32, #tpu.memory_space<vmem>>, %arg3: memref<1x1536xi32, #tpu.memory_space<vmem>>, %arg4: memref<1x1536xf32, #tpu.memory_space<vmem>>, %arg5: memref<1x1536xf32, #tpu.memory_space<vmem>>) attributes {dimension_semantics = [#tpu.dimension_semantics<arbitrary>], iteration_bounds = array<i64: 1>, scalar_prefetch = 0 : i64, scratch_operands = 1 : i64, tpu.core_type = #tpu.core_type<tc>, window_params = [{pipeline_mode = #tpu.pipeline_mode<synchronous>, transform_indices = @transform_0, window_bounds = array<i64: 1, 1536>}, {pipeline_mode = #tpu.pipeline_mode<synchronous>, transform_indices = @transform_1, window_bounds = array<i64: 1, 1536>}, {pipeline_mode = #tpu.pipeline_mode<synchronous>, transform_indices = @transform_2, window_bounds = array<i64: 1, 1536>}, {pipeline_mode = #tpu.pipeline_mode<synchronous>, transform_indices = @transform_3, window_bounds = array<i64: 1, 1536>}]} {
    %get3A = arith.constant 0 : index
    %get3A_0 = arith.constant 0 : index
    %get3A_1 = vector.load %arg1[%get3A, %get3A_0] : memref<1x1536xf32, #tpu.memory_space<vmem>>, vector<1x1536xf32>
    %slice3A = vector.extract_strided_slice %get3A_1 {offsets = [0, 12], sizes = [1, 1524], strides = [1, 1]} : vector<1x1536xf32> to vector<1x1524xf32>
    %slice3A_2 = vector.extract_strided_slice %get3A_1 {offsets = [0, 0], sizes = [1, 12], strides = [1, 1]} : vector<1x1536xf32> to vector<1x12xf32>
    %concatenate3A = tpu.concatenate %slice3A, %slice3A_2 in 1 : vector<1x1524xf32>, vector<1x12xf32> -> vector<1x1536xf32>
    %add3A = arith.addf %get3A_1, %concatenate3A : vector<1x1536xf32>
    %slice3A_3 = vector.extract_strided_slice %add3A {offsets = [0, 24], sizes = [1, 1512], strides = [1, 1]} : vector<1x1536xf32> to vector<1x1512xf32>
    %slice3A_4 = vector.extract_strided_slice %add3A {offsets = [0, 0], sizes = [1, 24], strides = [1, 1]} : vector<1x1536xf32> to vector<1x24xf32>
    %concatenate3A_5 = tpu.concatenate %slice3A_3, %slice3A_4 in 1 : vector<1x1512xf32>, vector<1x24xf32> -> vector<1x1536xf32>
    %add3A_6 = arith.addf %add3A, %concatenate3A_5 : vector<1x1536xf32>
    %slice3A_7 = vector.extract_strided_slice %add3A_6 {offsets = [0, 48], sizes = [1, 1488], strides = [1, 1]} : vector<1x1536xf32> to vector<1x1488xf32>
    %slice3A_8 = vector.extract_strided_slice %add3A_6 {offsets = [0, 0], sizes = [1, 48], strides = [1, 1]} : vector<1x1536xf32> to vector<1x48xf32>
    %concatenate3A_9 = tpu.concatenate %slice3A_7, %slice3A_8 in 1 : vector<1x1488xf32>, vector<1x48xf32> -> vector<1x1536xf32>
    %add3A_10 = arith.addf %add3A_6, %concatenate3A_9 : vector<1x1536xf32>
    %slice3A_11 = vector.extract_strided_slice %add3A_10 {offsets = [0, 96], sizes = [1, 1440], strides = [1, 1]} : vector<1x1536xf32> to vector<1x1440xf32>
    %slice3A_12 = vector.extract_strided_slice %add3A_10 {offsets = [0, 0], sizes = [1, 96], strides = [1, 1]} : vector<1x1536xf32> to vector<1x96xf32>
    %concatenate3A_13 = tpu.concatenate %slice3A_11, %slice3A_12 in 1 : vector<1x1440xf32>, vector<1x96xf32> -> vector<1x1536xf32>
    %add3A_14 = arith.addf %add3A_10, %concatenate3A_13 : vector<1x1536xf32>
    %slice3A_15 = vector.extract_strided_slice %add3A_14 {offsets = [0, 192], sizes = [1, 1344], strides = [1, 1]} : vector<1x1536xf32> to vector<1x1344xf32>
    %slice3A_16 = vector.extract_strided_slice %add3A_14 {offsets = [0, 0], sizes = [1, 192], strides = [1, 1]} : vector<1x1536xf32> to vector<1x192xf32>
    %concatenate3A_17 = tpu.concatenate %slice3A_15, %slice3A_16 in 1 : vector<1x1344xf32>, vector<1x192xf32> -> vector<1x1536xf32>
    %add3A_18 = arith.addf %add3A_14, %concatenate3A_17 : vector<1x1536xf32>
    %slice3A_19 = vector.extract_strided_slice %add3A_18 {offsets = [0, 384], sizes = [1, 1152], strides = [1, 1]} : vector<1x1536xf32> to vector<1x1152xf32>
    %slice3A_20 = vector.extract_strided_slice %add3A_18 {offsets = [0, 0], sizes = [1, 384], strides = [1, 1]} : vector<1x1536xf32> to vector<1x384xf32>
    %concatenate3A_21 = tpu.concatenate %slice3A_19, %slice3A_20 in 1 : vector<1x1152xf32>, vector<1x384xf32> -> vector<1x1536xf32>
    %add3A_22 = arith.addf %add3A_18, %concatenate3A_21 : vector<1x1536xf32>
    %slice3A_23 = vector.extract_strided_slice %add3A_22 {offsets = [0, 768], sizes = [1, 768], strides = [1, 1]} : vector<1x1536xf32> to vector<1x768xf32>
    %slice3A_24 = vector.extract_strided_slice %add3A_22 {offsets = [0, 0], sizes = [1, 768], strides = [1, 1]} : vector<1x1536xf32> to vector<1x768xf32>
    %concatenate3A_25 = tpu.concatenate %slice3A_23, %slice3A_24 in 1 : vector<1x768xf32>, vector<1x768xf32> -> vector<1x1536xf32>
    %add3A_26 = arith.addf %add3A_22, %concatenate3A_25 : vector<1x1536xf32>
    %mul3A = arith.constant 3.000000e-02 : f32
    %mul3A_27 = vector.broadcast %mul3A : f32 to vector<1x1536xf32>
    %mul3A_28 = arith.mulf %mul3A_27, %add3A_26 : vector<1x1536xf32>
    %mul3A_29 = arith.constant -5.000000e+00 : f32
    %mul3A_30 = vector.broadcast %mul3A_29 : f32 to vector<1x1536xf32>
    %mul3A_31 = arith.mulf %mul3A_30, %mul3A_28 : vector<1x1536xf32>
    %exp3A = math.exp %mul3A_31 : vector<1x1536xf32>
    %swap3A = arith.constant 0 : index
    %swap3A_32 = arith.constant 0 : index
    %swap3A_33 = vector.load %arg5[%swap3A, %swap3A_32] : memref<1x1536xf32, #tpu.memory_space<vmem>>, vector<1x1536xf32>
    tpu.vector_store %arg5[%swap3A, %swap3A_32], %exp3A {strides = array<i32>} : memref<1x1536xf32, #tpu.memory_space<vmem>>, vector<1x1536xf32>,
    %get3A_34 = arith.constant 0 : index
    %get3A_35 = arith.constant 0 : index
    %get3A_36 = vector.load %arg5[%get3A_34, %get3A_35] : memref<1x1536xf32, #tpu.memory_space<vmem>>, vector<1x1536xf32>
    %reduce_sum3A = vector.shape_cast %get3A_36 : vector<1x1536xf32> to vector<1x1x1536xf32>
    %reduce_sum3A_37 = arith.constant dense<0.000000e+00> : vector<1xf32>
    %reduce_sum3A_38 = vector.multi_reduction <add>, %reduce_sum3A, %reduce_sum3A_37 [1, 2] : vector<1x1x1536xf32> to vector<1xf32>
    %reduce_sum3A_39 = vector.shape_cast %reduce_sum3A_38 : vector<1xf32> to vector<1x1x1xf32>
    %reduce_sum3A_40 = vector.extract %reduce_sum3A_39[0, 0, 0] : f32 from vector<1x1x1xf32>
    %div3A = arith.constant 1.280000e+02 : f32
    %div3A_41 = arith.divf %reduce_sum3A_40, %div3A : f32
    %iota3A = tpu.iota {dimensions = array<i32: 1>} : vector<1x1536xi32>
    %log3A = math.log %get3A_36 : vector<1x1536xf32>
    %mul3A_42 = arith.constant 9.900000e+01 : f32
    %mul3A_43 = arith.mulf %div3A_41, %mul3A_42 : f32
    %mul3A_44 = arith.constant 1.000000e+00 : f32
    %mul3A_45 = arith.mulf %mul3A_43, %mul3A_44 : f32
    %broadcast_in_dim3A = arith.constant 1.000000e+00 : f32
    %broadcast_in_dim3A_46 = vector.broadcast %broadcast_in_dim3A : f32 to vector<1x1536xf32>
    %mul3A_47 = vector.broadcast %mul3A_45 : f32 to vector<1x1536xf32>
    %mul3A_48 = arith.mulf %mul3A_47, %broadcast_in_dim3A_46 : vector<1x1536xf32>
    %log3A_49 = math.log %mul3A_48 : vector<1x1536xf32>
    %eq3A = arith.constant 12 : i32
    %eq3A_50 = vector.broadcast %eq3A : i32 to vector<1x1536xi32>
    %eq3A_51 = arith.cmpi eq, %iota3A, %eq3A_50 : vector<1x1536xi32>
    %select_n3A = arith.select %eq3A_51, %log3A_49, %log3A : vector<1x1536xi1>, vector<1x1536xf32>
    %le3A = arith.constant 12 : i32
    %le3A_52 = vector.broadcast %le3A : i32 to vector<1x1536xi32>
    %le3A_53 = arith.cmpi sle, %iota3A, %le3A_52 : vector<1x1536xi32>
    %jit3A = arith.constant 0xFF800000 : f32
    %broadcast_in_dim3A_54 = vector.broadcast %jit3A : f32 to vector<1x1536xf32>
    %select_n3A_55 = arith.select %le3A_53, %select_n3A, %broadcast_in_dim3A_54 : vector<1x1536xi1>, vector<1x1536xf32>
    %get3A_56 = arith.constant 0 : index
    %get3A_57 = arith.constant 0 : index
    %get3A_58 = vector.load %arg2[%get3A_56, %get3A_57] : memref<1x1536xf32, #tpu.memory_space<vmem>>, vector<1x1536xf32>
    %add3A_59 = arith.addf %select_n3A_55, %get3A_58 : vector<1x1536xf32>
    %reduce_max3A = vector.shape_cast %add3A_59 : vector<1x1536xf32> to vector<1x1x1536xf32>
    %reduce_max3A_60 = arith.constant dense<0xFF800000> : vector<1xf32>
    %reduce_max3A_61 = vector.multi_reduction <maximumf>, %reduce_max3A, %reduce_max3A_60 [1, 2] : vector<1x1x1536xf32> to vector<1xf32>
    %reduce_max3A_62 = vector.shape_cast %reduce_max3A_61 : vector<1xf32> to vector<1x1x1xf32>
    %reduce_max3A_63 = vector.extract %reduce_max3A_62[0, 0, 0] : f32 from vector<1x1x1xf32>
    %eq3A_64 = vector.broadcast %reduce_max3A_63 : f32 to vector<1x1536xf32>
    %eq3A_65 = arith.cmpf oeq, %add3A_59, %eq3A_64 : vector<1x1536xf32>
    %jit3A_66 = arith.constant 1073741824 : i32
    %broadcast_in_dim3A_67 = vector.broadcast %jit3A_66 : i32 to vector<1x1536xi32>
    %select_n3A_68 = arith.select %eq3A_65, %iota3A, %broadcast_in_dim3A_67 : vector<1x1536xi1>, vector<1x1536xi32>
    %reduce_min3A = vector.shape_cast %select_n3A_68 : vector<1x1536xi32> to vector<1x1x1536xi32>
    %reduce_min3A_69 = arith.constant dense<2147483647> : vector<1xi32>
    %reduce_min3A_70 = vector.multi_reduction <minsi>, %reduce_min3A, %reduce_min3A_69 [1, 2] : vector<1x1x1536xi32> to vector<1xi32>
    %reduce_min3A_71 = vector.shape_cast %reduce_min3A_70 : vector<1xi32> to vector<1x1x1xi32>
    %reduce_min3A_72 = vector.extract %reduce_min3A_71[0, 0, 0] : i32 from vector<1x1x1xi32>
    %get3A_73 = arith.constant 0 : index
    %get3A_74 = arith.constant 0 : index
    %get3A_75 = vector.load %arg3[%get3A_73, %get3A_74] : memref<1x1536xi32, #tpu.memory_space<vmem>>, vector<1x1536xi32>
    %eq3A_76 = vector.broadcast %reduce_min3A_72 : i32 to vector<1x1536xi32>
    %eq3A_77 = arith.cmpi eq, %get3A_75, %eq3A_76 : vector<1x1536xi32>
    %jit3A_78 = arith.constant 3.000000e+00 : f32
    %jit3A_79 = arith.constant 0.000000e+00 : f32
    %broadcast_in_dim3A_80 = vector.broadcast %jit3A_78 : f32 to vector<1x1536xf32>
    %broadcast_in_dim3A_81 = vector.broadcast %jit3A_79 : f32 to vector<1x1536xf32>
    %select_n3A_82 = arith.select %eq3A_77, %broadcast_in_dim3A_80, %broadcast_in_dim3A_81 : vector<1x1536xi1>, vector<1x1536xf32>
    %swap3A_83 = arith.constant 0 : index
    %swap3A_84 = arith.constant 0 : index
    %swap3A_85 = vector.load %arg4[%swap3A_83, %swap3A_84] : memref<1x1536xf32, #tpu.memory_space<vmem>>, vector<1x1536xf32>
    tpu.vector_store %arg4[%swap3A_83, %swap3A_84], %select_n3A_82 {strides = array<i32>} : memref<1x1536xf32, #tpu.memory_space<vmem>>, vector<1x1536xf32>,
    return
  }
  func.func @transform_0(%arg0: i32) -> (i32, i32) {
    %c0_i32 = arith.constant 0 : i32
    %c0_i32_0 = arith.constant 0 : i32
    %c0_i32_1 = arith.constant 0 : i32
    return %c0_i32, %c0_i32_0 : i32, i32
  }
  func.func @transform_1(%arg0: i32) -> (i32, i32) {
    %c0_i32 = arith.constant 0 : i32
    %c0_i32_0 = arith.constant 0 : i32
    %c0_i32_1 = arith.constant 0 : i32
    return %c0_i32, %c0_i32_0 : i32, i32
  }
  func.func @transform_2(%arg0: i32) -> (i32, i32) {
    %c0_i32 = arith.constant 0 : i32
    %c0_i32_0 = arith.constant 0 : i32
    %c0_i32_1 = arith.constant 0 : i32
    return %c0_i32, %c0_i32_0 : i32, i32
  }
  func.func @transform_3(%arg0: i32) -> (i32, i32) {
    %c0_i32 = arith.constant 0 : i32
    %c0_i32_0 = arith.constant 0 : i32
    %c0_i32_1 = arith.constant 0 : i32
    return %c0_i32, %c0_i32_0 : i32, i32
  }
}

module attributes {stable_mosaic.version = 14 : i64} {
  func.func @body(%arg0: i32, %arg1: memref<256x1536xf32, #tpu.memory_space<vmem>>, %arg2: memref<1x1536xf32, #tpu.memory_space<vmem>>, %arg3: memref<1x1536xi32, #tpu.memory_space<vmem>>, %arg4: memref<256x1536xf32, #tpu.memory_space<vmem>>) attributes {dimension_semantics = [#tpu.dimension_semantics<arbitrary>], iteration_bounds = array<i64: 128>, scalar_prefetch = 0 : i64, scratch_operands = 0 : i64, tpu.core_type = #tpu.core_type<tc>, window_params = [{transform_indices = @transform_0, window_bounds = array<i64: 256, 1536>}, {pipeline_mode = #tpu.pipeline_mode<synchronous>, transform_indices = @transform_1, window_bounds = array<i64: 1, 1536>}, {pipeline_mode = #tpu.pipeline_mode<synchronous>, transform_indices = @transform_2, window_bounds = array<i64: 1, 1536>}, {transform_indices = @transform_3, window_bounds = array<i64: 256, 1536>}]} {
    %get3A = arith.constant 0 : index
    %get3A_0 = arith.constant 0 : index
    %get3A_1 = vector.load %arg2[%get3A, %get3A_0] : memref<1x1536xf32, #tpu.memory_space<vmem>>, vector<1x1536xf32>
    %gt3A = arith.constant 0.000000e+00 : f32
    %gt3A_2 = vector.broadcast %gt3A : f32 to vector<1x1536xf32>
    %gt3A_3 = arith.cmpf ogt, %get3A_1, %gt3A_2 : vector<1x1536xf32>
    %get3A_4 = arith.constant 0 : index
    %get3A_5 = arith.constant 0 : index
    %get3A_6 = vector.load %arg3[%get3A_4, %get3A_5] : memref<1x1536xi32, #tpu.memory_space<vmem>>, vector<1x1536xi32>
    %jit3A = arith.constant 11 : i32
    %broadcast_in_dim3A = vector.broadcast %jit3A : i32 to vector<1x1536xi32>
    %select_n3A = arith.select %gt3A_3, %get3A_6, %broadcast_in_dim3A : vector<1x1536xi1>, vector<1x1536xi32>
    %reduce_min3A = vector.shape_cast %select_n3A : vector<1x1536xi32> to vector<1x1x1536xi32>
    %reduce_min3A_7 = arith.constant dense<2147483647> : vector<1xi32>
    %reduce_min3A_8 = vector.multi_reduction <minsi>, %reduce_min3A, %reduce_min3A_7 [1, 2] : vector<1x1x1536xi32> to vector<1xi32>
    %reduce_min3A_9 = vector.shape_cast %reduce_min3A_8 : vector<1xi32> to vector<1x1x1xi32>
    %reduce_min3A_10 = vector.extract %reduce_min3A_9[0, 0, 0] : i32 from vector<1x1x1xi32>
    %iota3A = tpu.iota {dimensions = array<i32: 0>} : vector<256x128xi32>
    %iota3A_11 = tpu.iota {dimensions = array<i32: 1>} : vector<256x128xi32>
    %mul3A = arith.constant 256 : i32
    %mul3A_12 = arith.muli %arg0, %mul3A : i32
    %add3A = vector.broadcast %mul3A_12 : i32 to vector<256x128xi32>
    %add3A_13 = arith.addi %add3A, %iota3A : vector<256x128xi32>
    %mul3A_14 = arith.constant 1536 : i32
    %mul3A_15 = vector.broadcast %mul3A_14 : i32 to vector<256x128xi32>
    %mul3A_16 = arith.muli %add3A_13, %mul3A_15 : vector<256x128xi32>
    %mul3A_17 = arith.constant 12 : i32
    %mul3A_18 = vector.broadcast %mul3A_17 : i32 to vector<256x128xi32>
    %mul3A_19 = arith.muli %iota3A_11, %mul3A_18 : vector<256x128xi32>
    %add3A_20 = arith.addi %mul3A_16, %mul3A_19 : vector<256x128xi32>
    %add3A_21 = vector.broadcast %reduce_min3A_10 : i32 to vector<256x128xi32>
    %add3A_22 = arith.addi %add3A_20, %add3A_21 : vector<256x128xi32>
    %broadcast_in_dim3A_23 = arith.constant 64467757 : i32
    %broadcast_in_dim3A_24 = vector.broadcast %broadcast_in_dim3A_23 : i32 to vector<256x128xi32>
    %add3A_25 = arith.constant -1378843660 : i32
    %add3A_26 = vector.broadcast %add3A_25 : i32 to vector<256x128xi32>
    %add3A_27 = arith.addi %add3A_22, %add3A_26 : vector<256x128xi32>
    %add3A_28 = arith.addi %broadcast_in_dim3A_24, %add3A_27 : vector<256x128xi32>
    %shift_left3A = arith.constant 13 : i32
    %shift_left3A_29 = vector.broadcast %shift_left3A : i32 to vector<256x128xi32>
    %shift_left3A_30 = arith.shli %add3A_27, %shift_left3A_29 : vector<256x128xi32>
    %shift_right_logical3A = arith.constant 19 : i32
    %shift_right_logical3A_31 = vector.broadcast %shift_right_logical3A : i32 to vector<256x128xi32>
    %shift_right_logical3A_32 = arith.shrui %add3A_27, %shift_right_logical3A_31 : vector<256x128xi32>
    %or3A = arith.ori %shift_left3A_30, %shift_right_logical3A_32 : vector<256x128xi32>
    %xor3A = arith.xori %or3A, %add3A_28 : vector<256x128xi32>
    %add3A_33 = arith.addi %add3A_28, %xor3A : vector<256x128xi32>
    %shift_left3A_34 = arith.constant 15 : i32
    %shift_left3A_35 = vector.broadcast %shift_left3A_34 : i32 to vector<256x128xi32>
    %shift_left3A_36 = arith.shli %xor3A, %shift_left3A_35 : vector<256x128xi32>
    %shift_right_logical3A_37 = arith.constant 17 : i32
    %shift_right_logical3A_38 = vector.broadcast %shift_right_logical3A_37 : i32 to vector<256x128xi32>
    %shift_right_logical3A_39 = arith.shrui %xor3A, %shift_right_logical3A_38 : vector<256x128xi32>
    %or3A_40 = arith.ori %shift_left3A_36, %shift_right_logical3A_39 : vector<256x128xi32>
    %xor3A_41 = arith.xori %or3A_40, %add3A_33 : vector<256x128xi32>
    %add3A_42 = arith.addi %add3A_33, %xor3A_41 : vector<256x128xi32>
    %shift_left3A_43 = arith.constant 26 : i32
    %shift_left3A_44 = vector.broadcast %shift_left3A_43 : i32 to vector<256x128xi32>
    %shift_left3A_45 = arith.shli %xor3A_41, %shift_left3A_44 : vector<256x128xi32>
    %shift_right_logical3A_46 = arith.constant 6 : i32
    %shift_right_logical3A_47 = vector.broadcast %shift_right_logical3A_46 : i32 to vector<256x128xi32>
    %shift_right_logical3A_48 = arith.shrui %xor3A_41, %shift_right_logical3A_47 : vector<256x128xi32>
    %or3A_49 = arith.ori %shift_left3A_45, %shift_right_logical3A_48 : vector<256x128xi32>
    %xor3A_50 = arith.xori %or3A_49, %add3A_42 : vector<256x128xi32>
    %add3A_51 = arith.addi %add3A_42, %xor3A_50 : vector<256x128xi32>
    %shift_left3A_52 = arith.constant 6 : i32
    %shift_left3A_53 = vector.broadcast %shift_left3A_52 : i32 to vector<256x128xi32>
    %shift_left3A_54 = arith.shli %xor3A_50, %shift_left3A_53 : vector<256x128xi32>
    %shift_right_logical3A_55 = arith.constant 26 : i32
    %shift_right_logical3A_56 = vector.broadcast %shift_right_logical3A_55 : i32 to vector<256x128xi32>
    %shift_right_logical3A_57 = arith.shrui %xor3A_50, %shift_right_logical3A_56 : vector<256x128xi32>
    %or3A_58 = arith.ori %shift_left3A_54, %shift_right_logical3A_57 : vector<256x128xi32>
    %xor3A_59 = arith.xori %or3A_58, %add3A_51 : vector<256x128xi32>
    %add3A_60 = arith.constant -1378843660 : i32
    %add3A_61 = vector.broadcast %add3A_60 : i32 to vector<256x128xi32>
    %add3A_62 = arith.addi %add3A_51, %add3A_61 : vector<256x128xi32>
    %add3A_63 = arith.constant -1244255485 : i32
    %add3A_64 = vector.broadcast %add3A_63 : i32 to vector<256x128xi32>
    %add3A_65 = arith.addi %xor3A_59, %add3A_64 : vector<256x128xi32>
    %add3A_66 = arith.constant 1 : i32
    %add3A_67 = vector.broadcast %add3A_66 : i32 to vector<256x128xi32>
    %add3A_68 = arith.addi %add3A_65, %add3A_67 : vector<256x128xi32>
    %add3A_69 = arith.addi %add3A_62, %add3A_68 : vector<256x128xi32>
    %shift_left3A_70 = arith.constant 17 : i32
    %shift_left3A_71 = vector.broadcast %shift_left3A_70 : i32 to vector<256x128xi32>
    %shift_left3A_72 = arith.shli %add3A_68, %shift_left3A_71 : vector<256x128xi32>
    %shift_right_logical3A_73 = arith.constant 15 : i32
    %shift_right_logical3A_74 = vector.broadcast %shift_right_logical3A_73 : i32 to vector<256x128xi32>
    %shift_right_logical3A_75 = arith.shrui %add3A_68, %shift_right_logical3A_74 : vector<256x128xi32>
    %or3A_76 = arith.ori %shift_left3A_72, %shift_right_logical3A_75 : vector<256x128xi32>
    %xor3A_77 = arith.xori %or3A_76, %add3A_69 : vector<256x128xi32>
    %add3A_78 = arith.addi %add3A_69, %xor3A_77 : vector<256x128xi32>
    %shift_left3A_79 = arith.constant 29 : i32
    %shift_left3A_80 = vector.broadcast %shift_left3A_79 : i32 to vector<256x128xi32>
    %shift_left3A_81 = arith.shli %xor3A_77, %shift_left3A_80 : vector<256x128xi32>
    %shift_right_logical3A_82 = arith.constant 3 : i32
    %shift_right_logical3A_83 = vector.broadcast %shift_right_logical3A_82 : i32 to vector<256x128xi32>
    %shift_right_logical3A_84 = arith.shrui %xor3A_77, %shift_right_logical3A_83 : vector<256x128xi32>
    %or3A_85 = arith.ori %shift_left3A_81, %shift_right_logical3A_84 : vector<256x128xi32>
    %xor3A_86 = arith.xori %or3A_85, %add3A_78 : vector<256x128xi32>
    %add3A_87 = arith.addi %add3A_78, %xor3A_86 : vector<256x128xi32>
    %shift_left3A_88 = arith.constant 16 : i32
    %shift_left3A_89 = vector.broadcast %shift_left3A_88 : i32 to vector<256x128xi32>
    %shift_left3A_90 = arith.shli %xor3A_86, %shift_left3A_89 : vector<256x128xi32>
    %shift_right_logical3A_91 = arith.constant 16 : i32
    %shift_right_logical3A_92 = vector.broadcast %shift_right_logical3A_91 : i32 to vector<256x128xi32>
    %shift_right_logical3A_93 = arith.shrui %xor3A_86, %shift_right_logical3A_92 : vector<256x128xi32>
    %or3A_94 = arith.ori %shift_left3A_90, %shift_right_logical3A_93 : vector<256x128xi32>
    %xor3A_95 = arith.xori %or3A_94, %add3A_87 : vector<256x128xi32>
    %add3A_96 = arith.addi %add3A_87, %xor3A_95 : vector<256x128xi32>
    %shift_left3A_97 = arith.constant 24 : i32
    %shift_left3A_98 = vector.broadcast %shift_left3A_97 : i32 to vector<256x128xi32>
    %shift_left3A_99 = arith.shli %xor3A_95, %shift_left3A_98 : vector<256x128xi32>
    %shift_right_logical3A_100 = arith.constant 8 : i32
    %shift_right_logical3A_101 = vector.broadcast %shift_right_logical3A_100 : i32 to vector<256x128xi32>
    %shift_right_logical3A_102 = arith.shrui %xor3A_95, %shift_right_logical3A_101 : vector<256x128xi32>
    %or3A_103 = arith.ori %shift_left3A_99, %shift_right_logical3A_102 : vector<256x128xi32>
    %xor3A_104 = arith.xori %or3A_103, %add3A_96 : vector<256x128xi32>
    %add3A_105 = arith.constant -1244255485 : i32
    %add3A_106 = vector.broadcast %add3A_105 : i32 to vector<256x128xi32>
    %add3A_107 = arith.addi %add3A_96, %add3A_106 : vector<256x128xi32>
    %add3A_108 = arith.constant 64467757 : i32
    %add3A_109 = vector.broadcast %add3A_108 : i32 to vector<256x128xi32>
    %add3A_110 = arith.addi %xor3A_104, %add3A_109 : vector<256x128xi32>
    %add3A_111 = arith.constant 2 : i32
    %add3A_112 = vector.broadcast %add3A_111 : i32 to vector<256x128xi32>
    %add3A_113 = arith.addi %add3A_110, %add3A_112 : vector<256x128xi32>
    %add3A_114 = arith.addi %add3A_107, %add3A_113 : vector<256x128xi32>
    %shift_left3A_115 = arith.constant 13 : i32
    %shift_left3A_116 = vector.broadcast %shift_left3A_115 : i32 to vector<256x128xi32>
    %shift_left3A_117 = arith.shli %add3A_113, %shift_left3A_116 : vector<256x128xi32>
    %shift_right_logical3A_118 = arith.constant 19 : i32
    %shift_right_logical3A_119 = vector.broadcast %shift_right_logical3A_118 : i32 to vector<256x128xi32>
    %shift_right_logical3A_120 = arith.shrui %add3A_113, %shift_right_logical3A_119 : vector<256x128xi32>
    %or3A_121 = arith.ori %shift_left3A_117, %shift_right_logical3A_120 : vector<256x128xi32>
    %xor3A_122 = arith.xori %or3A_121, %add3A_114 : vector<256x128xi32>
    %add3A_123 = arith.addi %add3A_114, %xor3A_122 : vector<256x128xi32>
    %shift_left3A_124 = arith.constant 15 : i32
    %shift_left3A_125 = vector.broadcast %shift_left3A_124 : i32 to vector<256x128xi32>
    %shift_left3A_126 = arith.shli %xor3A_122, %shift_left3A_125 : vector<256x128xi32>
    %shift_right_logical3A_127 = arith.constant 17 : i32
    %shift_right_logical3A_128 = vector.broadcast %shift_right_logical3A_127 : i32 to vector<256x128xi32>
    %shift_right_logical3A_129 = arith.shrui %xor3A_122, %shift_right_logical3A_128 : vector<256x128xi32>
    %or3A_130 = arith.ori %shift_left3A_126, %shift_right_logical3A_129 : vector<256x128xi32>
    %xor3A_131 = arith.xori %or3A_130, %add3A_123 : vector<256x128xi32>
    %add3A_132 = arith.addi %add3A_123, %xor3A_131 : vector<256x128xi32>
    %shift_left3A_133 = arith.constant 26 : i32
    %shift_left3A_134 = vector.broadcast %shift_left3A_133 : i32 to vector<256x128xi32>
    %shift_left3A_135 = arith.shli %xor3A_131, %shift_left3A_134 : vector<256x128xi32>
    %shift_right_logical3A_136 = arith.constant 6 : i32
    %shift_right_logical3A_137 = vector.broadcast %shift_right_logical3A_136 : i32 to vector<256x128xi32>
    %shift_right_logical3A_138 = arith.shrui %xor3A_131, %shift_right_logical3A_137 : vector<256x128xi32>
    %or3A_139 = arith.ori %shift_left3A_135, %shift_right_logical3A_138 : vector<256x128xi32>
    %xor3A_140 = arith.xori %or3A_139, %add3A_132 : vector<256x128xi32>
    %add3A_141 = arith.addi %add3A_132, %xor3A_140 : vector<256x128xi32>
    %shift_left3A_142 = arith.constant 6 : i32
    %shift_left3A_143 = vector.broadcast %shift_left3A_142 : i32 to vector<256x128xi32>
    %shift_left3A_144 = arith.shli %xor3A_140, %shift_left3A_143 : vector<256x128xi32>
    %shift_right_logical3A_145 = arith.constant 26 : i32
    %shift_right_logical3A_146 = vector.broadcast %shift_right_logical3A_145 : i32 to vector<256x128xi32>
    %shift_right_logical3A_147 = arith.shrui %xor3A_140, %shift_right_logical3A_146 : vector<256x128xi32>
    %or3A_148 = arith.ori %shift_left3A_144, %shift_right_logical3A_147 : vector<256x128xi32>
    %xor3A_149 = arith.xori %or3A_148, %add3A_141 : vector<256x128xi32>
    %add3A_150 = arith.constant 64467757 : i32
    %add3A_151 = vector.broadcast %add3A_150 : i32 to vector<256x128xi32>
    %add3A_152 = arith.addi %add3A_141, %add3A_151 : vector<256x128xi32>
    %add3A_153 = arith.constant -1378843660 : i32
    %add3A_154 = vector.broadcast %add3A_153 : i32 to vector<256x128xi32>
    %add3A_155 = arith.addi %xor3A_149, %add3A_154 : vector<256x128xi32>
    %add3A_156 = arith.constant 3 : i32
    %add3A_157 = vector.broadcast %add3A_156 : i32 to vector<256x128xi32>
    %add3A_158 = arith.addi %add3A_155, %add3A_157 : vector<256x128xi32>
    %add3A_159 = arith.addi %add3A_152, %add3A_158 : vector<256x128xi32>
    %shift_left3A_160 = arith.constant 17 : i32
    %shift_left3A_161 = vector.broadcast %shift_left3A_160 : i32 to vector<256x128xi32>
    %shift_left3A_162 = arith.shli %add3A_158, %shift_left3A_161 : vector<256x128xi32>
    %shift_right_logical3A_163 = arith.constant 15 : i32
    %shift_right_logical3A_164 = vector.broadcast %shift_right_logical3A_163 : i32 to vector<256x128xi32>
    %shift_right_logical3A_165 = arith.shrui %add3A_158, %shift_right_logical3A_164 : vector<256x128xi32>
    %or3A_166 = arith.ori %shift_left3A_162, %shift_right_logical3A_165 : vector<256x128xi32>
    %xor3A_167 = arith.xori %or3A_166, %add3A_159 : vector<256x128xi32>
    %add3A_168 = arith.addi %add3A_159, %xor3A_167 : vector<256x128xi32>
    %shift_left3A_169 = arith.constant 29 : i32
    %shift_left3A_170 = vector.broadcast %shift_left3A_169 : i32 to vector<256x128xi32>
    %shift_left3A_171 = arith.shli %xor3A_167, %shift_left3A_170 : vector<256x128xi32>
    %shift_right_logical3A_172 = arith.constant 3 : i32
    %shift_right_logical3A_173 = vector.broadcast %shift_right_logical3A_172 : i32 to vector<256x128xi32>
    %shift_right_logical3A_174 = arith.shrui %xor3A_167, %shift_right_logical3A_173 : vector<256x128xi32>
    %or3A_175 = arith.ori %shift_left3A_171, %shift_right_logical3A_174 : vector<256x128xi32>
    %xor3A_176 = arith.xori %or3A_175, %add3A_168 : vector<256x128xi32>
    %add3A_177 = arith.addi %add3A_168, %xor3A_176 : vector<256x128xi32>
    %shift_left3A_178 = arith.constant 16 : i32
    %shift_left3A_179 = vector.broadcast %shift_left3A_178 : i32 to vector<256x128xi32>
    %shift_left3A_180 = arith.shli %xor3A_176, %shift_left3A_179 : vector<256x128xi32>
    %shift_right_logical3A_181 = arith.constant 16 : i32
    %shift_right_logical3A_182 = vector.broadcast %shift_right_logical3A_181 : i32 to vector<256x128xi32>
    %shift_right_logical3A_183 = arith.shrui %xor3A_176, %shift_right_logical3A_182 : vector<256x128xi32>
    %or3A_184 = arith.ori %shift_left3A_180, %shift_right_logical3A_183 : vector<256x128xi32>
    %xor3A_185 = arith.xori %or3A_184, %add3A_177 : vector<256x128xi32>
    %add3A_186 = arith.addi %add3A_177, %xor3A_185 : vector<256x128xi32>
    %shift_left3A_187 = arith.constant 24 : i32
    %shift_left3A_188 = vector.broadcast %shift_left3A_187 : i32 to vector<256x128xi32>
    %shift_left3A_189 = arith.shli %xor3A_185, %shift_left3A_188 : vector<256x128xi32>
    %shift_right_logical3A_190 = arith.constant 8 : i32
    %shift_right_logical3A_191 = vector.broadcast %shift_right_logical3A_190 : i32 to vector<256x128xi32>
    %shift_right_logical3A_192 = arith.shrui %xor3A_185, %shift_right_logical3A_191 : vector<256x128xi32>
    %or3A_193 = arith.ori %shift_left3A_189, %shift_right_logical3A_192 : vector<256x128xi32>
    %xor3A_194 = arith.xori %or3A_193, %add3A_186 : vector<256x128xi32>
    %add3A_195 = arith.constant -1378843660 : i32
    %add3A_196 = vector.broadcast %add3A_195 : i32 to vector<256x128xi32>
    %add3A_197 = arith.addi %add3A_186, %add3A_196 : vector<256x128xi32>
    %add3A_198 = arith.constant -1244255485 : i32
    %add3A_199 = vector.broadcast %add3A_198 : i32 to vector<256x128xi32>
    %add3A_200 = arith.addi %xor3A_194, %add3A_199 : vector<256x128xi32>
    %add3A_201 = arith.constant 4 : i32
    %add3A_202 = vector.broadcast %add3A_201 : i32 to vector<256x128xi32>
    %add3A_203 = arith.addi %add3A_200, %add3A_202 : vector<256x128xi32>
    %add3A_204 = arith.addi %add3A_197, %add3A_203 : vector<256x128xi32>
    %shift_left3A_205 = arith.constant 13 : i32
    %shift_left3A_206 = vector.broadcast %shift_left3A_205 : i32 to vector<256x128xi32>
    %shift_left3A_207 = arith.shli %add3A_203, %shift_left3A_206 : vector<256x128xi32>
    %shift_right_logical3A_208 = arith.constant 19 : i32
    %shift_right_logical3A_209 = vector.broadcast %shift_right_logical3A_208 : i32 to vector<256x128xi32>
    %shift_right_logical3A_210 = arith.shrui %add3A_203, %shift_right_logical3A_209 : vector<256x128xi32>
    %or3A_211 = arith.ori %shift_left3A_207, %shift_right_logical3A_210 : vector<256x128xi32>
    %xor3A_212 = arith.xori %or3A_211, %add3A_204 : vector<256x128xi32>
    %add3A_213 = arith.addi %add3A_204, %xor3A_212 : vector<256x128xi32>
    %shift_left3A_214 = arith.constant 15 : i32
    %shift_left3A_215 = vector.broadcast %shift_left3A_214 : i32 to vector<256x128xi32>
    %shift_left3A_216 = arith.shli %xor3A_212, %shift_left3A_215 : vector<256x128xi32>
    %shift_right_logical3A_217 = arith.constant 17 : i32
    %shift_right_logical3A_218 = vector.broadcast %shift_right_logical3A_217 : i32 to vector<256x128xi32>
    %shift_right_logical3A_219 = arith.shrui %xor3A_212, %shift_right_logical3A_218 : vector<256x128xi32>
    %or3A_220 = arith.ori %shift_left3A_216, %shift_right_logical3A_219 : vector<256x128xi32>
    %xor3A_221 = arith.xori %or3A_220, %add3A_213 : vector<256x128xi32>
    %add3A_222 = arith.addi %add3A_213, %xor3A_221 : vector<256x128xi32>
    %shift_left3A_223 = arith.constant 26 : i32
    %shift_left3A_224 = vector.broadcast %shift_left3A_223 : i32 to vector<256x128xi32>
    %shift_left3A_225 = arith.shli %xor3A_221, %shift_left3A_224 : vector<256x128xi32>
    %shift_right_logical3A_226 = arith.constant 6 : i32
    %shift_right_logical3A_227 = vector.broadcast %shift_right_logical3A_226 : i32 to vector<256x128xi32>
    %shift_right_logical3A_228 = arith.shrui %xor3A_221, %shift_right_logical3A_227 : vector<256x128xi32>
    %or3A_229 = arith.ori %shift_left3A_225, %shift_right_logical3A_228 : vector<256x128xi32>
    %xor3A_230 = arith.xori %or3A_229, %add3A_222 : vector<256x128xi32>
    %add3A_231 = arith.addi %add3A_222, %xor3A_230 : vector<256x128xi32>
    %shift_left3A_232 = arith.constant 6 : i32
    %shift_left3A_233 = vector.broadcast %shift_left3A_232 : i32 to vector<256x128xi32>
    %shift_left3A_234 = arith.shli %xor3A_230, %shift_left3A_233 : vector<256x128xi32>
    %shift_right_logical3A_235 = arith.constant 26 : i32
    %shift_right_logical3A_236 = vector.broadcast %shift_right_logical3A_235 : i32 to vector<256x128xi32>
    %shift_right_logical3A_237 = arith.shrui %xor3A_230, %shift_right_logical3A_236 : vector<256x128xi32>
    %or3A_238 = arith.ori %shift_left3A_234, %shift_right_logical3A_237 : vector<256x128xi32>
    %xor3A_239 = arith.xori %or3A_238, %add3A_231 : vector<256x128xi32>
    %add3A_240 = arith.constant -1244255485 : i32
    %add3A_241 = vector.broadcast %add3A_240 : i32 to vector<256x128xi32>
    %add3A_242 = arith.addi %add3A_231, %add3A_241 : vector<256x128xi32>
    %add3A_243 = arith.constant 64467757 : i32
    %add3A_244 = vector.broadcast %add3A_243 : i32 to vector<256x128xi32>
    %add3A_245 = arith.addi %xor3A_239, %add3A_244 : vector<256x128xi32>
    %add3A_246 = arith.constant 5 : i32
    %add3A_247 = vector.broadcast %add3A_246 : i32 to vector<256x128xi32>
    %add3A_248 = arith.addi %add3A_245, %add3A_247 : vector<256x128xi32>
    %xor3A_249 = arith.xori %add3A_242, %add3A_248 : vector<256x128xi32>
    %shift_right_logical3A_250 = arith.constant 9 : i32
    %shift_right_logical3A_251 = vector.broadcast %shift_right_logical3A_250 : i32 to vector<256x128xi32>
    %shift_right_logical3A_252 = arith.shrui %xor3A_249, %shift_right_logical3A_251 : vector<256x128xi32>
    %or3A_253 = arith.constant 1065353216 : i32
    %or3A_254 = vector.broadcast %or3A_253 : i32 to vector<256x128xi32>
    %or3A_255 = arith.ori %shift_right_logical3A_252, %or3A_254 : vector<256x128xi32>
    %bitcast_convert_type3A = tpu.bitcast %or3A_255 : vector<256x128xi32> -> vector<256x128xf32>
    %sub3A = arith.constant 1.000000e+00 : f32
    %sub3A_256 = vector.broadcast %sub3A : f32 to vector<256x128xf32>
    %sub3A_257 = arith.subf %bitcast_convert_type3A, %sub3A_256 : vector<256x128xf32>
    %sub3A_258 = arith.constant 1.000000e+00 : f32
    %sub3A_259 = arith.constant -0.99999994 : f32
    %sub3A_260 = arith.subf %sub3A_258, %sub3A_259 : f32
    %mul3A_261 = vector.broadcast %sub3A_260 : f32 to vector<256x128xf32>
    %mul3A_262 = arith.mulf %sub3A_257, %mul3A_261 : vector<256x128xf32>
    %add3A_263 = arith.constant -0.99999994 : f32
    %add3A_264 = vector.broadcast %add3A_263 : f32 to vector<256x128xf32>
    %add3A_265 = arith.addf %mul3A_262, %add3A_264 : vector<256x128xf32>
    %max3A = arith.constant -0.99999994 : f32
    %max3A_266 = vector.broadcast %max3A : f32 to vector<256x128xf32>
    %max3A_267 = arith.maximumf %max3A_266, %add3A_265 : vector<256x128xf32>
    %mul3A_268 = arith.mulf %max3A_267, %max3A_267 : vector<256x128xf32>
    %sub3A_269 = arith.constant 1.000000e+00 : f32
    %sub3A_270 = vector.broadcast %sub3A_269 : f32 to vector<256x128xf32>
    %sub3A_271 = arith.subf %sub3A_270, %mul3A_268 : vector<256x128xf32>
    %log3A = math.log %sub3A_271 : vector<256x128xf32>
    %neg3A = arith.constant 0.000000e+00 : f32
    %neg3A_272 = vector.broadcast %neg3A : f32 to vector<256x128xf32>
    %neg3A_273 = arith.subf %neg3A_272, %log3A : vector<256x128xf32>
    %sqrt3A = math.sqrt %neg3A_273 : vector<256x128xf32>
    %sub3A_274 = arith.constant 3.000000e+00 : f32
    %sub3A_275 = vector.broadcast %sub3A_274 : f32 to vector<256x128xf32>
    %sub3A_276 = arith.subf %sqrt3A, %sub3A_275 : vector<256x128xf32>
    %mul3A_277 = arith.constant -2.00214257E-4 : f32
    %mul3A_278 = vector.broadcast %mul3A_277 : f32 to vector<256x128xf32>
    %mul3A_279 = arith.mulf %mul3A_278, %sub3A_276 : vector<256x128xf32>
    %add3A_280 = arith.constant 1.00950558E-4 : f32
    %add3A_281 = vector.broadcast %add3A_280 : f32 to vector<256x128xf32>
    %add3A_282 = arith.addf %add3A_281, %mul3A_279 : vector<256x128xf32>
    %mul3A_283 = arith.mulf %add3A_282, %sub3A_276 : vector<256x128xf32>
    %add3A_284 = arith.constant 0.00134934322 : f32
    %add3A_285 = vector.broadcast %add3A_284 : f32 to vector<256x128xf32>
    %add3A_286 = arith.addf %add3A_285, %mul3A_283 : vector<256x128xf32>
    %mul3A_287 = arith.mulf %add3A_286, %sub3A_276 : vector<256x128xf32>
    %add3A_288 = arith.constant -0.00367342844 : f32
    %add3A_289 = vector.broadcast %add3A_288 : f32 to vector<256x128xf32>
    %add3A_290 = arith.addf %add3A_289, %mul3A_287 : vector<256x128xf32>
    %mul3A_291 = arith.mulf %add3A_290, %sub3A_276 : vector<256x128xf32>
    %add3A_292 = arith.constant 0.00573950773 : f32
    %add3A_293 = vector.broadcast %add3A_292 : f32 to vector<256x128xf32>
    %add3A_294 = arith.addf %add3A_293, %mul3A_291 : vector<256x128xf32>
    %mul3A_295 = arith.mulf %add3A_294, %sub3A_276 : vector<256x128xf32>
    %add3A_296 = arith.constant -0.0076224613 : f32
    %add3A_297 = vector.broadcast %add3A_296 : f32 to vector<256x128xf32>
    %add3A_298 = arith.addf %add3A_297, %mul3A_295 : vector<256x128xf32>
    %mul3A_299 = arith.mulf %add3A_298, %sub3A_276 : vector<256x128xf32>
    %add3A_300 = arith.constant 0.00943887047 : f32
    %add3A_301 = vector.broadcast %add3A_300 : f32 to vector<256x128xf32>
    %add3A_302 = arith.addf %add3A_301, %mul3A_299 : vector<256x128xf32>
    %mul3A_303 = arith.mulf %add3A_302, %sub3A_276 : vector<256x128xf32>
    %add3A_304 = arith.constant 1.00167406 : f32
    %add3A_305 = vector.broadcast %add3A_304 : f32 to vector<256x128xf32>
    %add3A_306 = arith.addf %add3A_305, %mul3A_303 : vector<256x128xf32>
    %mul3A_307 = arith.mulf %add3A_306, %sub3A_276 : vector<256x128xf32>
    %add3A_308 = arith.constant 2.83297682 : f32
    %add3A_309 = vector.broadcast %add3A_308 : f32 to vector<256x128xf32>
    %add3A_310 = arith.addf %add3A_309, %mul3A_307 : vector<256x128xf32>
    %mul3A_311 = arith.mulf %add3A_310, %max3A_267 : vector<256x128xf32>
    %mul3A_312 = arith.constant 1.41421354 : f32
    %mul3A_313 = vector.broadcast %mul3A_312 : f32 to vector<256x128xf32>
    %mul3A_314 = arith.mulf %mul3A_313, %mul3A_311 : vector<256x128xf32>
    %sub3A_315 = arith.constant 3.000000e+00 : f32
    %sub3A_316 = vector.broadcast %sub3A_315 : f32 to vector<256x128xf32>
    %sub3A_317 = arith.subf %mul3A_314, %sub3A_316 : vector<256x128xf32>
    %max3A_318 = arith.constant 0.000000e+00 : f32
    %max3A_319 = vector.broadcast %max3A_318 : f32 to vector<256x128xf32>
    %max3A_320 = arith.maximumf %sub3A_317, %max3A_319 : vector<256x128xf32>
    %ge3A = arith.constant 5.000000e+00 : f32
    %ge3A_321 = vector.broadcast %ge3A : f32 to vector<256x128xf32>
    %ge3A_322 = arith.cmpf oge, %neg3A_273, %ge3A_321 : vector<256x128xf32>
    %jit3A_323 = arith.constant 0.000000e+00 : f32
    %broadcast_in_dim3A_324 = vector.broadcast %jit3A_323 : f32 to vector<256x128xf32>
    %select_n3A_325 = arith.select %ge3A_322, %max3A_320, %broadcast_in_dim3A_324 : vector<256x128xi1>, vector<256x128xf32>
    %iota3A_326 = tpu.iota {dimensions = array<i32: 0>} : vector<128x1536xi32>
    %iota3A_327 = tpu.iota {dimensions = array<i32: 1>} : vector<128x1536xi32>
    %mul3A_328 = arith.constant 12 : i32
    %mul3A_329 = vector.broadcast %mul3A_328 : i32 to vector<128x1536xi32>
    %mul3A_330 = arith.muli %iota3A_326, %mul3A_329 : vector<128x1536xi32>
    %add3A_331 = vector.broadcast %reduce_min3A_10 : i32 to vector<128x1536xi32>
    %add3A_332 = arith.addi %mul3A_330, %add3A_331 : vector<128x1536xi32>
    %eq3A = arith.cmpi eq, %iota3A_327, %add3A_332 : vector<128x1536xi32>
    %convert_element_type3A = arith.extui %eq3A : vector<128x1536xi1> to vector<128x1536xi32>
    %convert_element_type3A_333 = arith.sitofp %convert_element_type3A : vector<128x1536xi32> to vector<128x1536xf32>
    %dot_general3A = arith.constant dense<0.000000e+00> : vector<256x1536xf32>
    %dot_general3A_334 = tpu.matmul %select_n3A_325, %convert_element_type3A_333, %dot_general3A {dimension_numbers = #tpu.dot_dimension_numbers<[1], [0], [0], [1], [0, 0, 1, 1], [], []>, transpose_lhs_hint = false} : vector<256x128xf32>, vector<128x1536xf32>, vector<256x1536xf32> -> vector<256x1536xf32>
    %get3A_335 = arith.constant 0 : index
    %get3A_336 = arith.constant 0 : index
    %get3A_337 = vector.load %arg1[%get3A_335, %get3A_336] : memref<256x1536xf32, #tpu.memory_space<vmem>>, vector<256x1536xf32>
    %mul3A_338 = vector.broadcast %get3A_1 : vector<1x1536xf32> to vector<256x1536xf32>
    %mul3A_339 = arith.mulf %dot_general3A_334, %mul3A_338 : vector<256x1536xf32>
    %add3A_340 = arith.addf %get3A_337, %mul3A_339 : vector<256x1536xf32>
    %swap3A = arith.constant 0 : index
    %swap3A_341 = arith.constant 0 : index
    %swap3A_342 = vector.load %arg4[%swap3A, %swap3A_341] : memref<256x1536xf32, #tpu.memory_space<vmem>>, vector<256x1536xf32>
    tpu.vector_store %arg4[%swap3A, %swap3A_341], %add3A_340 {strides = array<i32>} : memref<256x1536xf32, #tpu.memory_space<vmem>>, vector<256x1536xf32>,
    return
  }
  func.func @transform_0(%arg0: i32) -> (i32, i32) {
    %c0_i32 = arith.constant 0 : i32
    %c0_i32_0 = arith.constant 0 : i32
    return %arg0, %c0_i32 : i32, i32
  }
  func.func @transform_1(%arg0: i32) -> (i32, i32) {
    %c0_i32 = arith.constant 0 : i32
    %c0_i32_0 = arith.constant 0 : i32
    %c0_i32_1 = arith.constant 0 : i32
    return %c0_i32, %c0_i32_0 : i32, i32
  }
  func.func @transform_2(%arg0: i32) -> (i32, i32) {
    %c0_i32 = arith.constant 0 : i32
    %c0_i32_0 = arith.constant 0 : i32
    %c0_i32_1 = arith.constant 0 : i32
    return %c0_i32, %c0_i32_0 : i32, i32
  }
  func.func @transform_3(%arg0: i32) -> (i32, i32) {
    %c0_i32 = arith.constant 0 : i32
    %c0_i32_0 = arith.constant 0 : i32
    return %arg0, %c0_i32 : i32, i32
  }
}

</mosaic_0001>

<sc_bundles>
// kernel: sparse-core-data-format-call.cloned.1.call-start
scs
called_computation_lowered:
.L_overlay_start_0:
0x0: {  	s2 =	sld [smem:$0x3FD9]  }
0x1: {  	s3 =	sld [smem:$0x3FFE];
	_ =	sdelay $0x1  }
0x2: {  	s1 =	srdreg.scid  }
0x3: {  	s0 =	sand.u32 $0x1, s1  }
0x4: {  	s18 =	sshll.u32 s0, $0xA;
	s2 =	sadd.s32 s3, s2  }
0x5: {  	s2 =	sadd.s32 s2, s18  }
0x6: {  	[smem:$0x3FC7] =	sst s2  }
0x7: {  	_ = 	snop  }
0x8: {  	s2 =	sld [smem:$0x3FD0];
	(tm) =	ssettm $0x1  }
0x9: {  	s19 =	sld [smem:$0x3FFB];
	_ =	sdelay $0x3  }
0xa: {  	_ =	strace s19  }
0xb: {  	s3 =	sld [smem:$0x3FFC];
	_ =	sdelay $0x3  }
0xc: {  	_ =	strace s3  }
0xd: {  	s3 =	sld [smem:$0x3FFD];
	_ =	sdelay $0x3  }
0xe: {  	_ =	strace s3  }
0xf: {  	_ =	strace $0x8FFFFFFF  }
0x10: {  	s20 =	sld [smem:$0x3FDB];
	_ =	sdelay $0x1  }
0x11: {  	s4 =	simm.s32 $_scs_section_size  }
0x12: {  	s5 =	simm.s32 $_size__tile_overlayer_lowered;
	s6 =	simm.s32 $_tile_overlayer_lowered  }
0x13: {  	s23 =	simm.s32 $0x1BFF;
	s22 =	sshll.u32 s6, $0x1;
	s3 =	sadd.s32 s4, s20  }
0x14: {  	s7 =	simm.s32 $0x0;
	s21 =	sshll.u32 s5, $0x1;
	s5 =	sadd.s32 s22, s3  }
0x15: {  	[timem:s7], [sflag:s23] =	dma.local [hbm:s5], s21  }
0x16: {  	_ =	swait.ge [sflag:s23], s21  }
0x17: {  	s4 =	ssub.s32 $0x0, s21;
	[sflag:s23] =	ssyncset.done $0x0  }
0x18: {  	[sflag:s23] =	ssyncadd.s32 s4;
	_ =	sdelay $0x1  }
0x19: {  	s24 =	simm.s32 $0x1B8B  }
0x1a: {  	_ =	swait.ge [sflag:s24], $0x1  }
0x1b: {  	[sflag:s24] =	ssyncset.done $0x0  }
0x1c: {  	s26 =	simm.s32 $0x1B8E;
	s25 =	sld [smem:$0x3FFE];
	[sflag:s24] =	ssyncadd.s32 $0xFFFFFFFF  }
0x1d: {  	s27 =	simm.s32 $execute0_lowered;
	[smem:$0x3FD2] =	sst s26  }
0x1e: {  	s5 =	sshll.u32 s27, $0x1;
	_ =	strace $0x80000046;
	[dreg:$0x1] =	wrdreg $0xFFFFFFFF  }
0x1f: {  	s28 =	simm.s32 $_size_execute0_lowered;
	s3 =	sadd.s32 s3, s5;
	[dreg:$0x0] =	wrdreg $0x0  }
0x20: {  	s5 =	sshll.u32 s28, $0x1;
	[dreg:$0x2] =	wrdreg s3  }
0x21: {  	[dreg:$0x3] =	wrdreg s5  }
0x22: {  	[dreg:$0x4] =	wrdreg $0xC0  }
0x23: {  	_ =	task [dreg:s7], $0x5FFFF  }
0x24: {  	[dreg:$0x1] =	wrdreg $0xFFFFFFFF  }
0x25: {  	[dreg:$0x0] =	wrdreg $0x60  }
0x26: {  	[dreg:$0x2] =	wrdreg s25  }
0x27: {  	[dreg:$0x3] =	wrdreg s2  }
0x28: {  	[dreg:$0x4] =	wrdreg $0x9  }
0x29: {  	_ =	task.clear_ibuf [dreg:s7], $0x5FFFF;
	_ =	strace $0x90000046  }
0x2a: {  	s29 =	simm.s32 $0x9;
	_ =	strace $0x80000048  }
0x2b: {  	_ =	swait.ge [sflag:s29], $0x1  }
0x2c: {  	[sflag:s29] =	ssyncadd.s32 $0xFFFFFFFF  }
0x2d: {  	_ =	strace $0x90000048  }
0x2e: {  	_ =	sfence  }
0x2f: {  	s30 =	sld [smem:$0x0];
	_ =	sdelay $0x2  }
0x30: {  	s31 =	sshll.u32 s1, $0xD;
	s1 =	sshrl.u32 s1, $0x2  }
0x31: {  	s3 =	sand.u32 $0x4000, s31;
	s1 =	sadd.s32 s1, s30  }
0x32: {  	s0 =	sor.u32 s3, s0;
	s1 =	sshll.u32 s1, $0x11  }
0x33: {  	s0 =	sor.u32 s1, s0  }
0x34: {  	s0 =	sadd.s32 $0x8F2B, s0  }
0x35: {  	[sflag:s0] =	ssyncadd.remote.s32 $0x1  }
0x36: {  	_ =	sfence.sel $0xFFFF  }
0x37: {  	[dreg:$0x0] =	wrdreg $0xFFFFFFFF;
	(pc) =	sbr.abs _section_cstart, $3  }
0x38: {  	[dreg:$0x1] =	wrdreg $0xFFFFFFFF  }
0x39: {  	_ =	task.clear_ibuf [dreg:s7], $0x2FFFF;
	_ =	strace $0x9FFFFFFF  }
0x3a: {  	(tm) =	ssettm $0x7FFFFFFF  }
0x3b: {  	_ =	shalt  }
tec
execute0_lowered:
.L_overlay_start_1:
0x0: {  	(tag) =	ssettag $0x1  }
0x1: {  	s13 =	rddreg [dreg:$0x0];
	s0 =	srdreg.scid  }
0x2: {  	s2 =	rddreg [dreg:$0x1];
	s1 =	stileid.u32;
	s5 =	simm.s32 $0x1  }
0x3: {  	s6 =	simm.s32 $0x2;
	s10 =	simm.s32 $0x1;
	s21 =	simm.s32 $0x0  }
0x4: {  	s15 =	simm.s32 $0x400000;
	s22 =	simm.s32 $0x0;
	s3 =	sshll.u32 s0, $0x4  }
0x5: {  	s16 =	simm.s32 $0x0;
	s17 =	simm.s32 $0x0;
	s3 =	sand.u32 $0x10, s3  }
0x6: {  	s18 =	simm.s32 $0x0;
	s0 =	rddreg [dreg:$0x2];
	s4 =	sor.u32 s1, s3  }
0x7: {  	_ =	strace $0x80000047;
	s8 =	sadd.s32 $0x618200, s13;
	s4 =	sshll.u32 s4, $0x3  }
0x8: {  	s20 =	simm.s32 $0x0;
	s12 =	sadd.s32 $0x630200, s13;
	s7 =	ssub.s32 $0x800, s4  }
0x9: {  	[sflag:s5] =	ssyncpa.u1 $0x0;
	s3 =	sadd.s32 $0x600200, s13;
	s31 =	sand.u32 $0xF8, s7  }
.Ltmp0:
0xa: {  	[sflag:s6] =	ssyncpa.u1 $0x0;
	p0 =	sne.s32 s31, $0x0;
	(pc) =	sbr.rel .LBB1_1-.Ltmp0, $4  }
0xb: {  	s6 =	sadd.s32 $0x608200, s13;
	s9 =	sshrl.u32 s7, $0x8;
	s10 =	simm.s32 @!p0 $0x0  }
0xc: {  	s19 =	smov.u32 s4;
	s7 =	sadd.s32 $0x610200, s13;
	s11 =	sadd.s32 s10, s9  }
0xd: {  	p0 =	por $0x0, $0x0;
	s9 =	sadd.s32 $0x620200, s13;
	s11 =	sshll.u32 s11, $0x4  }
0xe: {  	s10 =	sadd.s32 $0x628200, s13;
	s13 =	sadd.s32 $0x638200, s13;
	s14 =	sor.u32 $0x1, s11  }
.LBB1_7:
0xf: {  	p1 =	slt.u32 s20, $0x2  }
0x10: {  	s24 =	smov.u32 s22;
	p2 =	sgt.s32 @!p1 s22, $0x7F8;
	s23 =	sshra.s32 @!p1 s22, $0x1F  }
0x11: {  	p3 =	sgt.s32 @!p1 s21, $0x780;
	s25 =	sshra.s32 @!p1 s21, $0x1F;
	p2 =	por !p2, p1  }
0x12: {  	s22 =	sand.u32 @!p1 s23, s22;
	p3 =	por !p3, p1;
	s23 =	smov.u32 s21  }
0x13: {  	s21 =	sand.u32 @!p1 s25, s21;
	s24 =	simm.s32 @p2 $0x7F8;
	s23 =	simm.s32 @p3 $0x780  }
0x14: {  	s25 =	smov.u32 s19;
	s22 =	ssub.s32 @!p1 s24, s22;
	s21 =	ssub.s32 @!p1 s23, s21  }
0x15: {  	s23 =	sadd.s32 @!p1 $0xFFFFF808, s22;
	s22 =	ssub.s32 @!p1 $0x800, s22;
	s24 =	sadd.s32 @!p1 $0xFFFFF880, s21  }
0x16: {  	p2 =	sgt.s32 @!p1 s23, $0x7;
	s22 =	smul.u32 @!p1 $0xC, s22;
	p3 =	sgt.s32 @!p1 s24, $0x7F  }
0x17: {  	s21 =	ssub.s32 @!p1 $0x800, s21;
	p2 =	por !p2, p1;
	p3 =	por !p3, p1  }
0x18: {  	s23 =	sadd.s32 $0x80, s18;
	s22 =	simm.s32 @!p2 $0x0;
	s21 =	simm.s32 @!p3 $0x0  }
0x19: {  	p2 =	sgt.s32 s23, $0x7FF;
	s21 =	smul.u32 @!p1 s21, s22;
	s22 =	sadd.s32 $0x100, s19  }
0x1a: {  	s25 =	smov.u32 @p2 s22  }
0x1b: {  	s23 =	simm.s32 @p2 $0x0;
	p2 =	sgt.s32 s25, $0x7FF  }
0x1c: {  	s25 =	smov.u32 @p2 s4;
	p2 =	sne.s32 s20, s14  }
.Ltmp1:
0x1d: {  	p0 =	por !p0, !p0;
	s24 =	simm.s32 @!p1 $0x2;
	(pc) =	sbr.rel @!p2 .LBB1_8-.Ltmp1, $4  }
0x1e: {  	s22 =	smov.u32 s17;
	s17 =	smov.u32 s19;
	s21 =	sand.u32 @!p1 $0x3FFFFFFC, s21  }
0x1f: {  	_ =	swait.ge @!p1 [sflag:s24], s21;
	s26 =	ssub.s32 @!p1 $0x0, s21;
	s21 =	smov.u32 s16  }
0x20: {  	s20 =	sadd.s32 $0x1, s20;
	s16 =	smov.u32 s18;
	[sflag:s24] =	ssyncset.done @!p1 $0x0  }
0x21: {  	s18 =	smov.u32 s23;
	s19 =	smov.u32 s25;
	[sflag:s24] =	ssyncadd.s32 @!p1 s26  }
.LBB1_1:
0x22: {  	p1 =	sge.u32 s20, s11  }
0x23: {  	s23 =	sxor.u32 @!p1 $0xFFFFFFFF, s20  }
0x24: {  	s24 =	sshll.u32 @!p1 s19, $0xF;
	s25 =	sshll.u32 @!p1 s18, $0x4;
	s27 =	simm.s32 @!p1 $0x10  }
0x25: {  	s23 =	sshll.u32 @!p1 s23, $0xE;
	s25 =	sand.u32 @!p1 $0x7FF0, s25;
	s26 =	sadd.s32 @!p1 s3, s24  }
0x26: {  	s28 =	simm.s32 @!p1 $0x80;
	s23 =	sand.u32 @!p1 $0x4000, s23;
	s26 =	sadd.s32 @!p1 s25, s26  }
0x27: {  	[tilespmem:s23], [sflag:$0x1] =	stream.strided.gather @!p1 [hbm4b:s26+s27], $0x800, s28, s27, $0x38;
	[tilespmem:$0x10100] =	vst v63  }
0x28: {  	s26 =	sadd.s32 @!p1 s24, s6  }
0x29: {  	s29 =	sor.u32 @!p1 $0x800, s23;
	s26 =	sadd.s32 @!p1 s25, s26  }
0x2a: {  	[tilespmem:s29], [sflag:$0x1] =	stream.strided.gather @!p1 [hbm4b:s26+s27], $0x800, s28, s27, $0x38;
	[tilespmem:$0x10100] =	vst v63  }
0x2b: {  	s26 =	sadd.s32 @!p1 s24, s7  }
0x2c: {  	s29 =	sor.u32 @!p1 $0x1000, s23;
	s26 =	sadd.s32 @!p1 s25, s26  }
0x2d: {  	[tilespmem:s29], [sflag:$0x1] =	stream.strided.gather @!p1 [hbm4b:s26+s27], $0x800, s28, s27, $0x38;
	[tilespmem:$0x10100] =	vst v63  }
0x2e: {  	s26 =	sadd.s32 @!p1 s24, s8  }
0x2f: {  	s29 =	sor.u32 @!p1 $0x1800, s23;
	s26 =	sadd.s32 @!p1 s25, s26  }
0x30: {  	[tilespmem:s29], [sflag:$0x1] =	stream.strided.gather @!p1 [hbm4b:s26+s27], $0x800, s28, s27, $0x38;
	[tilespmem:$0x10100] =	vst v63  }
0x31: {  	s26 =	sadd.s32 @!p1 s24, s9  }
0x32: {  	s29 =	sor.u32 @!p1 $0x2000, s23;
	s26 =	sadd.s32 @!p1 s25, s26  }
0x33: {  	[tilespmem:s29], [sflag:$0x1] =	stream.strided.gather @!p1 [hbm4b:s26+s27], $0x800, s28, s27, $0x38;
	[tilespmem:$0x10100] =	vst v63  }
0x34: {  	s26 =	sadd.s32 @!p1 s24, s10  }
0x35: {  	s29 =	sor.u32 @!p1 $0x2800, s23;
	s26 =	sadd.s32 @!p1 s25, s26  }
0x36: {  	[tilespmem:s29], [sflag:$0x1] =	stream.strided.gather @!p1 [hbm4b:s26+s27], $0x800, s28, s27, $0x38;
	[tilespmem:$0x10100] =	vst v63  }
0x37: {  	s26 =	sadd.s32 @!p1 s24, s12  }
0x38: {  	s29 =	sor.u32 @!p1 $0x3000, s23;
	s24 =	sadd.s32 @!p1 s24, s13;
	s26 =	sadd.s32 @!p1 s25, s26  }
0x39: {  	[tilespmem:s29], [sflag:$0x1] =	stream.strided.gather @!p1 [hbm4b:s26+s27], $0x800, s28, s27, $0x38;
	[tilespmem:$0x10100] =	vst v63  }
0x3a: {  	s31 =	sadd.s32 $0xFFFFFFFF, s20;
	s23 =	sor.u32 @!p1 $0x3800, s23;
	s24 =	sadd.s32 @!p1 s25, s24  }
0x3b: {  	[tilespmem:s23], [sflag:$0x1] =	stream.strided.gather @!p1 [hbm4b:s24+s27], $0x800, s28, s27, $0x38;
	[tilespmem:$0x10100] =	vst v63  }
0x3c: {  	p1 =	sge.u32 s31, s11  }
.Ltmp2:
0x3d: {  	_ = 	snop;
	(pc) =	sbr.rel @p1 .LBB1_7-.Ltmp2, $1  }
0x3e: {  	_ =	sdelay $0x3  }
0x3f: {  	s23 =	simm.s32 $0x1;
	s25 =	sand.u32 $0x1, s20  }
0x40: {  	_ =	swait.ge [sflag:s5], $0x4000;
	s23 =	simm.s32 @!p0 $0x0;
	s26 =	smul.u32 $0x10200, s25  }
0x41: {  	[sflag:s5] =	ssyncset.done $0x0;
	s24 =	smul.u32 $0x10200, s23  }
0x42: {  	s23 =	sshll.u32 s23, $0xE;
	[sflag:s5] =	ssyncadd.s32 $0xFFFFC000  }
0x43: {  	s25 =	sor.u32 $0x40, s23;
	s31 =	sshrl.u32 s26, $0x2;
	s24 =	sshrl.u32 s24, $0x2  }
0x44: {  	s26 =	simm.s32 $0x0;
	s23 =	sor.u32 $0x8000, s31;
	s24 =	sor.u32 $0x8007, s24  }
.LBB1_3:
0x45: {  	v3 =	vld [tilespmem:s25+$0x30]  }
0x46: {  	v4 =	vld [tilespmem:s25+$0xFFFFFFD0]  }
0x47: {  	v5 =	vld [tilespmem:s25+$0xFFFFFFE0]  }
0x48: {  	v1 =	vld [tilespmem:s25+$0xFFFFFFF0]  }
0x49: {  	v0 =	vld [tilespmem:s25+$0x0]  }
0x4a: {  	v2 =	vld [tilespmem:s25+$0x10];
	[tilespmem:s24+$0x0 ss:$0x408] =	vst.msk $0xffff, v3  }
0x4b: {  	[tilespmem:s24+$0xFFFFFFFA ss:$0x408] =	vst.msk $0xffff, v4;
	v4 =	vld [tilespmem:s25+$0x20]  }
0x4c: {  	s28 =	simm.s32 $0x0;
	s29 =	sadd.s32 $0x80, s25;
	s27 =	smov.u32 s24;
	v3 =	vld [tilespmem:s25+$0xFFFFFFC0];
	[tilespmem:s24+$0xFFFFFFFB ss:$0x408] =	vst.msk $0xffff, v5  }
.LBB1_4:
0x4d: {  	v5 =	vld [tilespmem:s29+$0x30];
	s28 =	sadd.s32 $0x8, s28;
	[tilespmem:s27+$0xFFFFFFFC ss:$0x408] =	vst.msk $0xffff, v1  }
0x4e: {  	v6 =	vld [tilespmem:s29+$0xFFFFFFD0];
	p1 =	slt.u32 s28, $0x78;
	[tilespmem:s27+$0xFFFFFFFD ss:$0x408] =	vst.msk $0xffff, v0  }
0x4f: {  	v7 =	vld [tilespmem:s29+$0xFFFFFFE0];
	[tilespmem:s27+$0xFFFFFFFE ss:$0x408] =	vst.msk $0xffff, v2  }
.Ltmp3:
0x50: {  	v1 =	vld [tilespmem:s29+$0xFFFFFFF0];
	[tilespmem:s27+$0xFFFFFFFF ss:$0x408] =	vst.msk $0xffff, v4;
	(pc) =	sbr.rel @p1 .LBB1_4-.Ltmp3, $4  }
0x51: {  	v0 =	vld [tilespmem:s29+$0x0];
	[tilespmem:s27+$0xFFFFFFF9 ss:$0x408] =	vst.msk $0xffff, v3;
	s27 =	sadd.s32 $0x8, s27  }
0x52: {  	v2 =	vld [tilespmem:s29+$0x10];
	[tilespmem:s27+$0x0 ss:$0x408] =	vst.msk $0xffff, v5  }
0x53: {  	[tilespmem:s27+$0xFFFFFFFA ss:$0x408] =	vst.msk $0xffff, v6;
	v4 =	vld [tilespmem:s29+$0x20]  }
0x54: {  	v3 =	vld [tilespmem:s29+$0xFFFFFFC0];
	[tilespmem:s27+$0xFFFFFFFB ss:$0x408] =	vst.msk $0xffff, v7;
	s29 =	sadd.s32 $0x80, s29  }
0x55: {  	s26 =	sadd.s32 $0x1, s26  }
0x56: {  	p1 =	sne.s32 s26, $0x8  }
.Ltmp4:
0x57: {  	[tilespmem:s27+$0xFFFFFFFC ss:$0x408] =	vst.msk $0xffff, v1;
	(pc) =	sbr.rel @p1 .LBB1_3-.Ltmp4, $4  }
0x58: {  	[tilespmem:s27+$0xFFFFFFFD ss:$0x408] =	vst.msk $0xffff, v0  }
0x59: {  	[tilespmem:s27+$0xFFFFFFFE ss:$0x408] =	vst.msk $0xffff, v2  }
0x5a: {  	[tilespmem:s27+$0xFFFFFFFF ss:$0x408] =	vst.msk $0xffff, v4  }
0x5b: {  	s24 =	sadd.s32 $0x81, s24;
	s25 =	sadd.s32 $0x800, s25;
	[tilespmem:s27+$0xFFFFFFF9 ss:$0x408] =	vst.msk $0xffff, v3  }
0x5c: {  	s24 =	sand.u32 $0x78, s16;
	p1 =	sgt.s32 s17, $0x7F8;
	s25 =	smov.u32 s17  }
0x5d: {  	s26 =	sshra.s32 s17, $0x1F;
	s27 =	sshll.u32 s17, $0xB;
	s28 =	sshll.u32 s16, $0x3  }
0x5e: {  	s31 =	sshra.s32 s16, $0x1F;
	s30 =	sshll.u32 s17, $0x7;
	s25 =	simm.s32 @!p1 $0x7F8  }
0x5f: {  	s26 =	sand.u32 s26, s17;
	s27 =	sand.u32 $0x3FC000, s27;
	p1 =	sgt.s32 s16, $0x780  }
0x60: {  	s30 =	sand.u32 $0x380, s30;
	s25 =	ssub.s32 s25, s26;
	s26 =	smov.u32 s16  }
0x61: {  	s27 =	sadd.s32 s27, s28;
	s29 =	sadd.s32 $0xFFFFF808, s25;
	s26 =	simm.s32 @!p1 $0x780  }
0x62: {  	s25 =	ssub.s32 $0x800, s25;
	p1 =	sgt.s32 s29, $0x7;
	s29 =	sand.u32 s31, s16  }
0x63: {  	s28 =	sand.u32 $0x400, s28;
	s25 =	smul.u32 $0xC, s25;
	s26 =	ssub.s32 s26, s29  }
0x64: {  	s24 =	sor.u32 s30, s24;
	s27 =	sand.u32 $0x3FF800, s27;
	s29 =	sadd.s32 $0xFFFFF880, s26  }
0x65: {  	s25 =	simm.s32 @p1 $0x0;
	s26 =	ssub.s32 $0x800, s26;
	p1 =	sgt.s32 s29, $0x7F  }
.Ltmp5:
0x66: {  	s24 =	sor.u32 s28, s24;
	s26 =	simm.s32 @p1 $0x0;
	(pc) =	sbr.rel .LBB1_7-.Ltmp5, $4  }
0x67: {  	s24 =	sor.u32 s27, s24;
	s31 =	sand.u32 $0x7, s16;
	s25 =	smul.u32 s26, s25  }
0x68: {  	s24 =	sshrl.u32 s24, $0x3;
	s26 =	sshll.u32 s31, $0x12  }
0x69: {  	s24 =	sadd.s32 s2, s24;
	s26 =	sor.u32 $0x400, s26;
	s25 =	sand.u32 $0x3FFFFFFC, s25  }
0x6a: {  	[hbm4b:s24+s26] =	stream.strided.scatter [tilespmem:s23], [sflag:$0x2], s25, s15, s26, $0x20;
	[tilespmem:$0x10100] =	vst v63  }
.LBB1_8:
0x6b: {  	_ =	sfence.sel $0x180000  }
0x6c: {  	s2 =	simm.s32 $0x1;
	[bflag:$0x0] =	sbarrier.arrive $0xFFFF  }
0x6d: {  	s31 =	simm.s32 $0x2;
	[sflag:s2] =	ssyncpa.u1 $0x1  }
0x6e: {  	[sflag:s31] =	ssyncpa.u1 $0x1  }
0x6f: {  	p0 =	sne.s32 s1, $0x0;
	_ =	strace $0x90000047  }
0x70: {  	s0 =	sadd.s32 @!p0 $0x100000, s0;
	[bflag:$0x2] =	sbarrier.arrive $0xFFFF  }
0x71: {  	[sflag:s0] =	ssyncadd.tile.s32 @!p0 $0x1;
	_ =	shalt  }
.Lfunc_end1:
_tile_overlayer_lowered:
.L_overlay_start_2:
0x72: {  	(tag) =	ssettag $0x2  }
0x73: {  	s0 =	rddreg [dreg:$0x0];
	s2 =	stileid.u32  }
0x74: {  	s1 =	rddreg [dreg:$0x1];
	p0 =	sne.s32 s2, $0x0  }
0x75: {  	s3 =	rddreg [dreg:$0x2];
	[bflag:$0x3] =	sbarrier.arrive $0xFFFF;
	s2 =	simm.s32 @!p0 $0x1C01  }
0x76: {  	[timem:s3], [sflag:s2] =	dma.local @!p0 [hbm:s0], s1  }
0x77: {  	s0 =	simm.s32 @!p0 $0x1  }
0x78: {  	_ =	swait.ge @!p0 [sflag:s0], s1  }
0x79: {  	s1 =	ssub.s32 @!p0 $0x0, s1;
	[sflag:s0] =	ssyncset.done @!p0 $0x0  }
0x7a: {  	[sflag:s0] =	ssyncadd.s32 @!p0 s1  }
0x7b: {  	[bflag:$0x3] =	sbarrier.arrive $0xFFFF  }
0x7c: {  	_ =	shalt  }

</sc_bundles>
